<compile_context>
chip_gen: v7x
topology: tpu7x:2x2x1
jax: 0.10.2.dev20260603
libtpu: 0.0.44.dev20260713+nightly
codegen_flags: <defaults>
</compile_context>

<pallas_src>
import functools

import jax
import jax.numpy as jnp
from jax import lax
from jax.experimental import pallas as pl
from jax.experimental.pallas import tpu as pltpu
from jax.experimental.pallas import tpu_sc as plsc

D_MODEL = 4096
N_EXP = 64
TOP_K = 8
N_TOK = 8192
BLK_T = 512
CHUNK = 256

_NEG_INF = float("-inf")


def _tc_kernel(h_ref, w_ref, probs_ref, logits_ref):
    logits = jax.lax.dot_general(
        h_ref[...], w_ref[...], (((1,), (1,)), ((), ())),
        preferred_element_type=jnp.float32,
    )
    logits_ref[...] = logits
    for c in range(BLK_T // CHUNK):
        sl = pl.ds(c * CHUNK, CHUNK)
        lg = logits[c * CHUNK:(c + 1) * CHUNK, :].T
        m = jnp.max(lg, axis=0, keepdims=True)
        e = jnp.exp(lg - m)
        probs_ref[sl, :] = (e / jnp.sum(e, axis=0, keepdims=True)).T


def _tc_call(h, W):
    grid = (N_TOK // BLK_T,)
    return pl.pallas_call(
        _tc_kernel,
        grid=grid,
        in_specs=[
            pl.BlockSpec((BLK_T, D_MODEL), lambda i: (i, 0)),
            pl.BlockSpec((N_EXP, D_MODEL), lambda i: (0, 0)),
        ],
        out_specs=[
            pl.BlockSpec((BLK_T, N_EXP), lambda i: (i, 0)),
            pl.BlockSpec((BLK_T, N_EXP), lambda i: (i, 0)),
        ],
        out_shape=[
            jax.ShapeDtypeStruct((N_TOK, N_EXP), jnp.float32),
            jax.ShapeDtypeStruct((N_TOK, N_EXP), jnp.float32),
        ],
        compiler_params=pltpu.CompilerParams(
            dimension_semantics=("parallel",),
        ),
    )(h, W)


_INFO = plsc.get_sparse_core_info()
_NC, _NS, _L = _INFO.num_cores, _INFO.num_subcores, _INFO.num_lanes
_NW = _NC * _NS
_TPW = N_TOK // _NW


def _sc_topk_kernel(logits_hbm, mask_hbm, lg_v, mk_v):
    wid = lax.axis_index("s") * _NC + lax.axis_index("c")
    base = wid * _TPW
    pltpu.sync_copy(logits_hbm.at[pl.ds(base, _TPW)], lg_v)
    lane = lax.iota(jnp.int32, _L)

    def body(t, carry):
        def dsort(v):
            return plsc.sort_key_val(v, v, descending=True)[0]

        vs = [lg_v[t, pl.ds(16 * j, 16)] for j in range(4)]
        ss = [dsort(v) for v in vs]
        m01 = dsort(jnp.maximum(ss[0], lax.rev(ss[1], (0,))))
        m23 = dsort(jnp.maximum(ss[2], lax.rev(ss[3], (0,))))
        t16 = dsort(jnp.maximum(m01, lax.rev(m23, (0,))))
        thr = jnp.max(jnp.where(lane == (TOP_K - 1), t16, _NEG_INF))
        for j in range(4):
            mk_v[t, pl.ds(16 * j, 16)] = jnp.where(vs[j] >= thr, 1.0, 0.0)
        return carry

    lax.fori_loop(0, _TPW, body, 0)
    pltpu.sync_copy(mk_v, mask_hbm.at[pl.ds(base, _TPW)])


@functools.partial(jax.jit, static_argnames=())
def kernel(h, W):
    probs, logits = _tc_call(h, W)
    mesh = plsc.VectorSubcoreMesh(core_axis_name="c", subcore_axis_name="s")
    maskf = pl.kernel(
        _sc_topk_kernel,
        mesh=mesh,
        out_type=jax.ShapeDtypeStruct((N_TOK, N_EXP), jnp.float32),
        scratch_types=[
            pltpu.VMEM((_TPW, N_EXP), jnp.float32),
            pltpu.VMEM((_TPW, N_EXP), jnp.float32),
        ],
        compiler_params=pltpu.CompilerParams(needs_layout_passes=False),
    )(logits)
    return (maskf.astype(jnp.bool_), probs, probs, logits)

# --- scband reference (transcript-rebuilt; emitter-appended) ---
"""Pipeline reference for scband-top-krouter-49684181680913 (READ-ONLY COPY).

The authoritative reference and input builder live on the scoring server;
editing this copy changes nothing except your own understanding.
"""

import jax, jax.numpy as jnp
import numpy as np

D_MODEL = 4096
N_EXP = 64
TOP_K = 8
N_TOK = 8192  # batch 4 * seq_len 2048


def setup_inputs(seed: int = 0) -> dict:
    key = jax.random.key(seed)
    k1, k2 = jax.random.split(key)
    h = jax.random.normal(k1, (N_TOK, D_MODEL), dtype=jnp.float32)
    # eqx.nn.Linear(d_model, n_exp, use_bias=False): weight shape (n_exp, d_model),
    # initialized uniform(-1/sqrt(in), 1/sqrt(in))
    lim = 1.0 / np.sqrt(D_MODEL)
    W = jax.random.uniform(k2, (N_EXP, D_MODEL), minval=-lim, maxval=lim, dtype=jnp.float32)
    return {"h": h, "W": W}


def reference(h, W):
    # TopKRouter.__call__ with key=None, temp=1.0, sample_gumbel=False,
    # gumbel_tau=1.0, bias_row=None (defaults)
    k = TOP_K
    # logits_clean = vmap(Linear)(h) == h @ W.T
    logits_clean = h @ W.T
    E = logits_clean.shape[-1]
    logits_sel = logits_clean  # bias_row is None
    tau_soft = jnp.clip(jnp.asarray(1.0), 1e-06, None)
    tau_sel = jnp.clip(jnp.asarray(1.0), 1e-06, None)
    probs = jax.nn.softmax(logits_clean / tau_soft, axis=-1)
    logits_for_topk = logits_sel / tau_sel  # no gumbel sampling
    # _topk_mask: row-wise hard top-k along last dim
    _, idx = jax.lax.top_k(logits_for_topk, k)
    hard = jax.nn.one_hot(idx, E).sum(axis=-2)
    mask = hard.astype(bool)
    # RouterOutput(mask=mask, weight=probs, probs=probs, logits=logits_clean)
    return (mask, probs, probs, logits_clean)

if __name__ == "__main__":
    import jax
    _d = setup_inputs()
    print(jax.jit(kernel)(*tuple(_d.values())))

</pallas_src>

<mosaic_0001>
#map = affine_map<(d0, d1) -> (0, 0)>
module attributes {stable_mosaic.version = 14 : i64} {
  func.func @_sc_topk_kernel(%arg0: i32, %arg1: i32, %arg2: memref<8192x64xf32, #tpu.memory_space<hbm>>, %arg3: memref<8192x64xf32, #tpu.memory_space<hbm>>, %arg4: memref<256x64xf32, #tpu.memory_space<vmem>>, %arg5: memref<256x64xf32, #tpu.memory_space<vmem>>) attributes {dimension_semantics = [#tpu.dimension_semantics<core_parallel>, #tpu.dimension_semantics<subcore_parallel>], iteration_bounds = array<i64: 2, 16>, scalar_prefetch = 0 : i64, scratch_operands = 2 : i64, tpu.core_type = #tpu.core_type<sc_vector_subcore>, window_params = [{transform_indices = #map}, {transform_indices = #map}]} {
    %mul3A = arith.constant 2 : i32
    %mul3A_0 = arith.muli %arg1, %mul3A : i32
    %add3A = arith.addi %mul3A_0, %arg0 : i32
    %mul3A_1 = arith.constant 256 : i32
    %mul3A_2 = arith.muli %add3A, %mul3A_1 : i32
    "tpu.region"() ({
      %run_scoped3A = tpu.sem_alloc : memref<!tpu.dma_semaphore, #tpu.memory_space<semaphore_mem>>
      %dma_start3A = arith.constant 0 : i32
      %dma_start3A_8 = tpu.memref_slice %arg2[%mul3A_2, %dma_start3A] : memref<8192x64xf32, #tpu.memory_space<hbm>> -> memref<256x64xf32, #tpu.memory_space<hbm>>
      %dma_start3A_9 = arith.constant 0 : i32
      %dma_start3A_10 = tpu.memref_slice %arg2[%mul3A_2, %dma_start3A_9] : memref<8192x64xf32, #tpu.memory_space<hbm>> -> memref<256x64xf32, #tpu.memory_space<hbm>>
      tpu.enqueue_dma source(%dma_start3A_10 : memref<256x64xf32, #tpu.memory_space<hbm>>) target(%arg4 : memref<256x64xf32, #tpu.memory_space<vmem>>) target_semaphore(%run_scoped3A : memref<!tpu.dma_semaphore, #tpu.memory_space<semaphore_mem>>)
      %dma_wait3A = arith.constant 0 : i32
      %dma_wait3A_11 = tpu.memref_slice %arg2[%mul3A_2, %dma_wait3A] : memref<8192x64xf32, #tpu.memory_space<hbm>> -> memref<256x64xf32, #tpu.memory_space<hbm>>
      %dma_wait3A_12 = arith.constant 0 : i32
      %dma_wait3A_13 = tpu.memref_slice %arg2[%mul3A_2, %dma_wait3A_12] : memref<8192x64xf32, #tpu.memory_space<hbm>> -> memref<256x64xf32, #tpu.memory_space<hbm>>
      tpu.wait_dma2 semaphore(%run_scoped3A : memref<!tpu.dma_semaphore, #tpu.memory_space<semaphore_mem>>) src(%dma_wait3A_13 : memref<256x64xf32, #tpu.memory_space<hbm>>) dst(%arg4 : memref<256x64xf32, #tpu.memory_space<vmem>>)
      tpu.yield
    }) : () -> ()
    %iota3A = tpu.iota {dimensions = array<i32: 0>} : vector<16xi32>
    %scan3A = arith.constant 0 : i32
    %scan3A_3 = arith.constant 0 : i32
    %scan3A_4 = arith.constant 256 : i32
    %scan3A_5 = arith.addi %scan3A_3, %scan3A_4 : i32
    %scan3A_6 = arith.constant 1 : i32
    scf.for %scan3A_8 = %scan3A_3 to %scan3A_5 step %scan3A_6  : i32 {
      %get3A = arith.index_cast %scan3A_8 : i32 to index
      %get3A_9 = arith.constant 0 : index
      %get3A_10 = tpu.vector_load %arg4[%get3A, %get3A_9] {strides = array<i32>} : memref<256x64xf32, #tpu.memory_space<vmem>>, vector<16xf32>,
      %get3A_11 = arith.index_cast %scan3A_8 : i32 to index
      %get3A_12 = arith.constant 16 : index
      %get3A_13 = tpu.vector_load %arg4[%get3A_11, %get3A_12] {strides = array<i32>} : memref<256x64xf32, #tpu.memory_space<vmem>>, vector<16xf32>,
      %get3A_14 = arith.index_cast %scan3A_8 : i32 to index
      %get3A_15 = arith.constant 32 : index
      %get3A_16 = tpu.vector_load %arg4[%get3A_14, %get3A_15] {strides = array<i32>} : memref<256x64xf32, #tpu.memory_space<vmem>>, vector<16xf32>,
      %get3A_17 = arith.index_cast %scan3A_8 : i32 to index
      %get3A_18 = arith.constant 48 : index
      %get3A_19 = tpu.vector_load %arg4[%get3A_17, %get3A_18] {strides = array<i32>} : memref<256x64xf32, #tpu.memory_space<vmem>>, vector<16xf32>,
      %masked_sort3A = arith.constant dense<true> : vector<16xi1>
      %masked_sort3A_20, %masked_sort3A_21, %masked_sort3A_22 = tpu.sort %get3A_10, %get3A_10 masked %masked_sort3A {descending = true} : (vector<16xf32>, vector<16xf32>, vector<16xi1>) -> (vector<16xi1>, vector<16xf32>, vector<16xf32>)
      %masked_sort3A_23 = arith.constant dense<true> : vector<16xi1>
      %masked_sort3A_24, %masked_sort3A_25, %masked_sort3A_26 = tpu.sort %get3A_13, %get3A_13 masked %masked_sort3A_23 {descending = true} : (vector<16xf32>, vector<16xf32>, vector<16xi1>) -> (vector<16xi1>, vector<16xf32>, vector<16xf32>)
      %masked_sort3A_27 = arith.constant dense<true> : vector<16xi1>
      %masked_sort3A_28, %masked_sort3A_29, %masked_sort3A_30 = tpu.sort %get3A_16, %get3A_16 masked %masked_sort3A_27 {descending = true} : (vector<16xf32>, vector<16xf32>, vector<16xi1>) -> (vector<16xi1>, vector<16xf32>, vector<16xf32>)
      %masked_sort3A_31 = arith.constant dense<true> : vector<16xi1>
      %masked_sort3A_32, %masked_sort3A_33, %masked_sort3A_34 = tpu.sort %get3A_19, %get3A_19 masked %masked_sort3A_31 {descending = true} : (vector<16xf32>, vector<16xf32>, vector<16xi1>) -> (vector<16xi1>, vector<16xf32>, vector<16xf32>)
      %rev3A = arith.constant 15 : i32
      %rev3A_35 = vector.broadcast %rev3A : i32 to vector<16xi32>
      %rev3A_36 = tpu.iota {dimensions = array<i32: 0>} : vector<16xi32>
      %rev3A_37 = arith.subi %rev3A_35, %rev3A_36 : vector<16xi32>
      %rev3A_38 = tpu.dynamic_gather %masked_sort3A_25[%rev3A_37] in [0] : vector<16xf32>, vector<16xi32> -> vector<16xf32>
      %max3A = arith.maximumf %masked_sort3A_21, %rev3A_38 : vector<16xf32>
      %masked_sort3A_39 = arith.constant dense<true> : vector<16xi1>
      %masked_sort3A_40, %masked_sort3A_41, %masked_sort3A_42 = tpu.sort %max3A, %max3A masked %masked_sort3A_39 {descending = true} : (vector<16xf32>, vector<16xf32>, vector<16xi1>) -> (vector<16xi1>, vector<16xf32>, vector<16xf32>)
      %rev3A_43 = arith.constant 15 : i32
      %rev3A_44 = vector.broadcast %rev3A_43 : i32 to vector<16xi32>
      %rev3A_45 = tpu.iota {dimensions = array<i32: 0>} : vector<16xi32>
      %rev3A_46 = arith.subi %rev3A_44, %rev3A_45 : vector<16xi32>
      %rev3A_47 = tpu.dynamic_gather %masked_sort3A_33[%rev3A_46] in [0] : vector<16xf32>, vector<16xi32> -> vector<16xf32>
      %max3A_48 = arith.maximumf %masked_sort3A_29, %rev3A_47 : vector<16xf32>
      %masked_sort3A_49 = arith.constant dense<true> : vector<16xi1>
      %masked_sort3A_50, %masked_sort3A_51, %masked_sort3A_52 = tpu.sort %max3A_48, %max3A_48 masked %masked_sort3A_49 {descending = true} : (vector<16xf32>, vector<16xf32>, vector<16xi1>) -> (vector<16xi1>, vector<16xf32>, vector<16xf32>)
      %rev3A_53 = arith.constant 15 : i32
      %rev3A_54 = vector.broadcast %rev3A_53 : i32 to vector<16xi32>
      %rev3A_55 = tpu.iota {dimensions = array<i32: 0>} : vector<16xi32>
      %rev3A_56 = arith.subi %rev3A_54, %rev3A_55 : vector<16xi32>
      %rev3A_57 = tpu.dynamic_gather %masked_sort3A_51[%rev3A_56] in [0] : vector<16xf32>, vector<16xi32> -> vector<16xf32>
      %max3A_58 = arith.maximumf %masked_sort3A_41, %rev3A_57 : vector<16xf32>
      %masked_sort3A_59 = arith.constant dense<true> : vector<16xi1>
      %masked_sort3A_60, %masked_sort3A_61, %masked_sort3A_62 = tpu.sort %max3A_58, %max3A_58 masked %masked_sort3A_59 {descending = true} : (vector<16xf32>, vector<16xf32>, vector<16xi1>) -> (vector<16xi1>, vector<16xf32>, vector<16xf32>)
      %eq3A = arith.constant 7 : i32
      %eq3A_63 = vector.broadcast %eq3A : i32 to vector<16xi32>
      %eq3A_64 = arith.cmpi eq, %iota3A, %eq3A_63 : vector<16xi32>
      %jit3A = arith.constant 0xFF800000 : f32
      %broadcast_in_dim3A = vector.broadcast %jit3A : f32 to vector<16xf32>
      %select_n3A = arith.select %eq3A_64, %masked_sort3A_61, %broadcast_in_dim3A : vector<16xi1>, vector<16xf32>
      %reduce_max3A = arith.constant true
      %reduce_max3A_65 = vector.broadcast %reduce_max3A : i1 to vector<16xi1>
      %reduce_max3A_66 = tpu.scan <max>, %select_n3A masked %reduce_max3A_65 : vector<16xf32>, vector<16xi1> -> vector<16xf32>
      %reduce_max3A_67 = vector.extract %reduce_max3A_66[15] : f32 from vector<16xf32>
      %ge3A = vector.broadcast %reduce_max3A_67 : f32 to vector<16xf32>
      %ge3A_68 = arith.cmpf oge, %get3A_10, %ge3A : vector<16xf32>
      %jit3A_69 = arith.constant 1.000000e+00 : f32
      %jit3A_70 = arith.constant 0.000000e+00 : f32
      %broadcast_in_dim3A_71 = vector.broadcast %jit3A_69 : f32 to vector<16xf32>
      %broadcast_in_dim3A_72 = vector.broadcast %jit3A_70 : f32 to vector<16xf32>
      %select_n3A_73 = arith.select %ge3A_68, %broadcast_in_dim3A_71, %broadcast_in_dim3A_72 : vector<16xi1>, vector<16xf32>
      %swap3A = arith.index_cast %scan3A_8 : i32 to index
      %swap3A_74 = arith.constant 0 : index
      %swap3A_75 = tpu.vector_load %arg5[%swap3A, %swap3A_74] {strides = array<i32>} : memref<256x64xf32, #tpu.memory_space<vmem>>, vector<16xf32>,
      tpu.vector_store %arg5[%swap3A, %swap3A_74], %select_n3A_73 {strides = array<i32>} : memref<256x64xf32, #tpu.memory_space<vmem>>, vector<16xf32>,
      %ge3A_76 = vector.broadcast %reduce_max3A_67 : f32 to vector<16xf32>
      %ge3A_77 = arith.cmpf oge, %get3A_13, %ge3A_76 : vector<16xf32>
      %jit3A_78 = arith.constant 1.000000e+00 : f32
      %jit3A_79 = arith.constant 0.000000e+00 : f32
      %broadcast_in_dim3A_80 = vector.broadcast %jit3A_78 : f32 to vector<16xf32>
      %broadcast_in_dim3A_81 = vector.broadcast %jit3A_79 : f32 to vector<16xf32>
      %select_n3A_82 = arith.select %ge3A_77, %broadcast_in_dim3A_80, %broadcast_in_dim3A_81 : vector<16xi1>, vector<16xf32>
      %swap3A_83 = arith.index_cast %scan3A_8 : i32 to index
      %swap3A_84 = arith.constant 16 : index
      %swap3A_85 = tpu.vector_load %arg5[%swap3A_83, %swap3A_84] {strides = array<i32>} : memref<256x64xf32, #tpu.memory_space<vmem>>, vector<16xf32>,
      tpu.vector_store %arg5[%swap3A_83, %swap3A_84], %select_n3A_82 {strides = array<i32>} : memref<256x64xf32, #tpu.memory_space<vmem>>, vector<16xf32>,
      %ge3A_86 = vector.broadcast %reduce_max3A_67 : f32 to vector<16xf32>
      %ge3A_87 = arith.cmpf oge, %get3A_16, %ge3A_86 : vector<16xf32>
      %jit3A_88 = arith.constant 1.000000e+00 : f32
      %jit3A_89 = arith.constant 0.000000e+00 : f32
      %broadcast_in_dim3A_90 = vector.broadcast %jit3A_88 : f32 to vector<16xf32>
      %broadcast_in_dim3A_91 = vector.broadcast %jit3A_89 : f32 to vector<16xf32>
      %select_n3A_92 = arith.select %ge3A_87, %broadcast_in_dim3A_90, %broadcast_in_dim3A_91 : vector<16xi1>, vector<16xf32>
      %swap3A_93 = arith.index_cast %scan3A_8 : i32 to index
      %swap3A_94 = arith.constant 32 : index
      %swap3A_95 = tpu.vector_load %arg5[%swap3A_93, %swap3A_94] {strides = array<i32>} : memref<256x64xf32, #tpu.memory_space<vmem>>, vector<16xf32>,
      tpu.vector_store %arg5[%swap3A_93, %swap3A_94], %select_n3A_92 {strides = array<i32>} : memref<256x64xf32, #tpu.memory_space<vmem>>, vector<16xf32>,
      %ge3A_96 = vector.broadcast %reduce_max3A_67 : f32 to vector<16xf32>
      %ge3A_97 = arith.cmpf oge, %get3A_19, %ge3A_96 : vector<16xf32>
      %jit3A_98 = arith.constant 1.000000e+00 : f32
      %jit3A_99 = arith.constant 0.000000e+00 : f32
      %broadcast_in_dim3A_100 = vector.broadcast %jit3A_98 : f32 to vector<16xf32>
      %broadcast_in_dim3A_101 = vector.broadcast %jit3A_99 : f32 to vector<16xf32>
      %select_n3A_102 = arith.select %ge3A_97, %broadcast_in_dim3A_100, %broadcast_in_dim3A_101 : vector<16xi1>, vector<16xf32>
      %swap3A_103 = arith.index_cast %scan3A_8 : i32 to index
      %swap3A_104 = arith.constant 48 : index
      %swap3A_105 = tpu.vector_load %arg5[%swap3A_103, %swap3A_104] {strides = array<i32>} : memref<256x64xf32, #tpu.memory_space<vmem>>, vector<16xf32>,
      tpu.vector_store %arg5[%swap3A_103, %swap3A_104], %select_n3A_102 {strides = array<i32>} : memref<256x64xf32, #tpu.memory_space<vmem>>, vector<16xf32>,
    }
    %scan3A_7 = arith.constant 256 : i32
    "tpu.region"() ({
      %run_scoped3A = tpu.sem_alloc : memref<!tpu.dma_semaphore, #tpu.memory_space<semaphore_mem>>
      %dma_start3A = arith.constant 0 : i32
      %dma_start3A_8 = tpu.memref_slice %arg3[%mul3A_2, %dma_start3A] : memref<8192x64xf32, #tpu.memory_space<hbm>> -> memref<256x64xf32, #tpu.memory_space<hbm>>
      %dma_start3A_9 = arith.constant 0 : i32
      %dma_start3A_10 = tpu.memref_slice %arg3[%mul3A_2, %dma_start3A_9] : memref<8192x64xf32, #tpu.memory_space<hbm>> -> memref<256x64xf32, #tpu.memory_space<hbm>>
      tpu.enqueue_dma source(%arg5 : memref<256x64xf32, #tpu.memory_space<vmem>>) target(%dma_start3A_10 : memref<256x64xf32, #tpu.memory_space<hbm>>) target_semaphore(%run_scoped3A : memref<!tpu.dma_semaphore, #tpu.memory_space<semaphore_mem>>)
      %dma_wait3A = arith.constant 0 : i32
      %dma_wait3A_11 = tpu.memref_slice %arg3[%mul3A_2, %dma_wait3A] : memref<8192x64xf32, #tpu.memory_space<hbm>> -> memref<256x64xf32, #tpu.memory_space<hbm>>
      %dma_wait3A_12 = arith.constant 0 : i32
      %dma_wait3A_13 = tpu.memref_slice %arg3[%mul3A_2, %dma_wait3A_12] : memref<8192x64xf32, #tpu.memory_space<hbm>> -> memref<256x64xf32, #tpu.memory_space<hbm>>
      tpu.wait_dma2 semaphore(%run_scoped3A : memref<!tpu.dma_semaphore, #tpu.memory_space<semaphore_mem>>) src(%arg5 : memref<256x64xf32, #tpu.memory_space<vmem>>) dst(%dma_wait3A_13 : memref<256x64xf32, #tpu.memory_space<hbm>>)
      tpu.yield
    }) : () -> ()
    return
  }
}

module attributes {stable_mosaic.version = 14 : i64} {
  func.func @_tc_kernel(%arg0: i32, %arg1: memref<512x4096xf32, #tpu.memory_space<vmem>>, %arg2: memref<64x4096xf32, #tpu.memory_space<vmem>>, %arg3: memref<512x64xf32, #tpu.memory_space<vmem>>, %arg4: memref<512x64xf32, #tpu.memory_space<vmem>>) attributes {dimension_semantics = [#tpu.dimension_semantics<parallel>], iteration_bounds = array<i64: 16>, scalar_prefetch = 0 : i64, scratch_operands = 0 : i64, tpu.core_type = #tpu.core_type<tc>, window_params = [{transform_indices = @transform_0, window_bounds = array<i64: 512, 4096>}, {pipeline_mode = #tpu.pipeline_mode<synchronous>, transform_indices = @transform_1, window_bounds = array<i64: 64, 4096>}, {transform_indices = @transform_2, window_bounds = array<i64: 512, 64>}, {transform_indices = @transform_3, window_bounds = array<i64: 512, 64>}]} {
    %get3A = arith.constant 0 : index
    %get3A_0 = arith.constant 0 : index
    %get3A_1 = vector.load %arg1[%get3A, %get3A_0] : memref<512x4096xf32, #tpu.memory_space<vmem>>, vector<512x4096xf32>
    %get3A_2 = arith.constant 0 : index
    %get3A_3 = arith.constant 0 : index
    %get3A_4 = vector.load %arg2[%get3A_2, %get3A_3] : memref<64x4096xf32, #tpu.memory_space<vmem>>, vector<64x4096xf32>
    %dot_general3A = arith.constant dense<0.000000e+00> : vector<512x64xf32>
    %dot_general3A_5 = tpu.matmul %get3A_1, %get3A_4, %dot_general3A {dimension_numbers = #tpu.dot_dimension_numbers<[1], [1], [0], [0], [0, 0, 1, 0], [], []>, transpose_lhs_hint = false} : vector<512x4096xf32>, vector<64x4096xf32>, vector<512x64xf32> -> vector<512x64xf32>
    %swap3A = arith.constant 0 : index
    %swap3A_6 = arith.constant 0 : index
    %swap3A_7 = vector.load %arg4[%swap3A, %swap3A_6] : memref<512x64xf32, #tpu.memory_space<vmem>>, vector<512x64xf32>
    tpu.vector_store %arg4[%swap3A, %swap3A_6], %dot_general3A_5 {strides = array<i32>} : memref<512x64xf32, #tpu.memory_space<vmem>>, vector<512x64xf32>,
    %slice3A = vector.extract_strided_slice %dot_general3A_5 {offsets = [0, 0], sizes = [256, 64], strides = [1, 1]} : vector<512x64xf32> to vector<256x64xf32>
    %transpose3A = tpu.transpose %slice3A, [1, 0] : vector<256x64xf32> -> vector<64x256xf32>
    %reduce_max3A = arith.constant dense<0xFF800000> : vector<256xf32>
    %reduce_max3A_8 = vector.multi_reduction <maximumf>, %transpose3A, %reduce_max3A [0] : vector<64x256xf32> to vector<256xf32>
    %broadcast_in_dim3A = vector.shape_cast %reduce_max3A_8 : vector<256xf32> to vector<1x256xf32>
    %sub3A = vector.broadcast %broadcast_in_dim3A : vector<1x256xf32> to vector<64x256xf32>
    %sub3A_9 = arith.subf %transpose3A, %sub3A : vector<64x256xf32>
    %exp3A = math.exp %sub3A_9 : vector<64x256xf32>
    %reduce_sum3A = arith.constant dense<0.000000e+00> : vector<256xf32>
    %reduce_sum3A_10 = vector.multi_reduction <add>, %exp3A, %reduce_sum3A [0] : vector<64x256xf32> to vector<256xf32>
    %broadcast_in_dim3A_11 = vector.shape_cast %reduce_sum3A_10 : vector<256xf32> to vector<1x256xf32>
    %div3A = vector.broadcast %broadcast_in_dim3A_11 : vector<1x256xf32> to vector<64x256xf32>
    %div3A_12 = arith.divf %exp3A, %div3A : vector<64x256xf32>
    %transpose3A_13 = tpu.transpose %div3A_12, [1, 0] : vector<64x256xf32> -> vector<256x64xf32>
    %swap3A_14 = arith.constant 0 : index
    %swap3A_15 = arith.constant 0 : index
    %swap3A_16 = vector.load %arg3[%swap3A_14, %swap3A_15] : memref<512x64xf32, #tpu.memory_space<vmem>>, vector<256x64xf32>
    tpu.vector_store %arg3[%swap3A_14, %swap3A_15], %transpose3A_13 {strides = array<i32>} : memref<512x64xf32, #tpu.memory_space<vmem>>, vector<256x64xf32>,
    %slice3A_17 = vector.extract_strided_slice %dot_general3A_5 {offsets = [256, 0], sizes = [256, 64], strides = [1, 1]} : vector<512x64xf32> to vector<256x64xf32>
    %transpose3A_18 = tpu.transpose %slice3A_17, [1, 0] : vector<256x64xf32> -> vector<64x256xf32>
    %reduce_max3A_19 = arith.constant dense<0xFF800000> : vector<256xf32>
    %reduce_max3A_20 = vector.multi_reduction <maximumf>, %transpose3A_18, %reduce_max3A_19 [0] : vector<64x256xf32> to vector<256xf32>
    %broadcast_in_dim3A_21 = vector.shape_cast %reduce_max3A_20 : vector<256xf32> to vector<1x256xf32>
    %sub3A_22 = vector.broadcast %broadcast_in_dim3A_21 : vector<1x256xf32> to vector<64x256xf32>
    %sub3A_23 = arith.subf %transpose3A_18, %sub3A_22 : vector<64x256xf32>
    %exp3A_24 = math.exp %sub3A_23 : vector<64x256xf32>
    %reduce_sum3A_25 = arith.constant dense<0.000000e+00> : vector<256xf32>
    %reduce_sum3A_26 = vector.multi_reduction <add>, %exp3A_24, %reduce_sum3A_25 [0] : vector<64x256xf32> to vector<256xf32>
    %broadcast_in_dim3A_27 = vector.shape_cast %reduce_sum3A_26 : vector<256xf32> to vector<1x256xf32>
    %div3A_28 = vector.broadcast %broadcast_in_dim3A_27 : vector<1x256xf32> to vector<64x256xf32>
    %div3A_29 = arith.divf %exp3A_24, %div3A_28 : vector<64x256xf32>
    %transpose3A_30 = tpu.transpose %div3A_29, [1, 0] : vector<64x256xf32> -> vector<256x64xf32>
    %swap3A_31 = arith.constant 256 : index
    %swap3A_32 = arith.constant 0 : index
    %swap3A_33 = vector.load %arg3[%swap3A_31, %swap3A_32] : memref<512x64xf32, #tpu.memory_space<vmem>>, vector<256x64xf32>
    tpu.vector_store %arg3[%swap3A_31, %swap3A_32], %transpose3A_30 {strides = array<i32>} : memref<512x64xf32, #tpu.memory_space<vmem>>, vector<256x64xf32>,
    return
  }
  func.func @transform_0(%arg0: i32) -> (i32, i32) {
    %c0_i32 = arith.constant 0 : i32
    %c0_i32_0 = arith.constant 0 : i32
    return %arg0, %c0_i32 : i32, i32
  }
  func.func @transform_1(%arg0: i32) -> (i32, i32) {
    %c0_i32 = arith.constant 0 : i32
    %c0_i32_0 = arith.constant 0 : i32
    %c0_i32_1 = arith.constant 0 : i32
    return %c0_i32, %c0_i32_0 : i32, i32
  }
  func.func @transform_2(%arg0: i32) -> (i32, i32) {
    %c0_i32 = arith.constant 0 : i32
    %c0_i32_0 = arith.constant 0 : i32
    return %arg0, %c0_i32 : i32, i32
  }
  func.func @transform_3(%arg0: i32) -> (i32, i32) {
    %c0_i32 = arith.constant 0 : i32
    %c0_i32_0 = arith.constant 0 : i32
    return %arg0, %c0_i32 : i32, i32
  }
}

</mosaic_0001>

<sc_bundles>
// kernel: kernel.4.cloned.1.call-start
scs
__scs_entry_jumppad:
0x0: {  	(pc) =	sbr.rel $0x88, $3  }
0x1: {  	(tag) =	ssettag $0x0;
	lr =	simm.s32 $0x1  }
0x2: {  	[smem:$0x3F9F] =	sst lr;
	_ =	strace $0xD0000000  }
0x3: {  	_ = 	snop  }
0x4: {  	_ = 	snop  }
0x5: {  	_ = 	snop  }
0x6: {  	_ = 	snop  }
0x7: {  	_ = 	snop  }
__scs_overlays_trampoline_lowered:
0x8: {  	[smem:$0x3FAE] =	sst s0  }
0x9: {  	[smem:$0x3FAF] =	sst s1  }
0xa: {  	[smem:$0x3FB0] =	sst s2  }
0xb: {  	[smem:$0x3FB1] =	sst s3  }
0xc: {  	[smem:$0x3FB2] =	sst s4  }
0xd: {  	[smem:$0x3FB3] =	sst s5  }
0xe: {  	[smem:$0x3FB4] =	sst s6  }
0xf: {  	[smem:$0x3FB5] =	sst s7  }
0x10: {  	[smem:$0x3FB6] =	sst s8  }
0x11: {  	[smem:$0x3FB7] =	sst s9;
	s0 =	simm.s32 @!p0 $0x0  }
0x12: {  	s1 =	sld [smem:$0x3F9D];
	s0 =	simm.s32 @p0 $0x1  }
0x13: {  	[smem:$0x3FB8] =	sst s0;
	s0 =	simm.s32 @!p1 $0x0  }
0x14: {  	s2 =	sld [smem:$0x3F9C];
	s0 =	simm.s32 @p1 $0x1  }
0x15: {  	[smem:$0x3FB9] =	sst s0;
	s0 =	simm.s32 @!p2 $0x0  }
0x16: {  	s3 =	sld [smem:$0x3FDB];
	s0 =	simm.s32 @p2 $0x1  }
0x17: {  	s4 =	simm.s32 $0x1BF5;
	[smem:$0x3FBB] =	sst s0  }
0x18: {  	s0 =	sld [smem:$0x3F9E];
	_ =	swait.ge [sflag:s4], $0x0  }
0x19: {  	s7 =	sld [smem:$0x3F9F]  }
0x1a: {  	s8 =	sadd.s32 $0xFFFFE003, lr  }
0x1b: {  	s9 =	sadd.s32 $0xFFFFFEF7, lr;
	s5 =	simm.s32 $0xFFFFFFFF;
	p2 =	slt.u32 s8, $0xFFFFF086  }
0x1c: {  	p1 =	slt.u32 s9, $0xF7A;
	s5 =	simm.s32 @!p2 $0x0  }
0x1d: {  	s5 =	simm.s32 @p1 $0x1;
	p0 =	seq.s32 s7, s2  }
0x1e: {  	s7 =	smul.u32 @!p0 $0xF7A, s2;
	p2 =	seq.s32 @!p0 s5, $0x0  }
0x1f: {  	s9 =	smul.u32 $0xF7A, s1;
	s8 =	simm.s32 @!p0 $0x1BF5;
	p2 =	por !p2, p0  }
0x20: {  	[sflag:s8] =	ssyncset.s32 @!p0 $0xFFFFF086;
	s6 =	sadd.s32 @!p0 s3, s7;
	s7 =	simm.s32 @!p0 $0x108  }
0x21: {  	s3 =	sadd.s32 s3, s9;
	s6 =	sadd.s32 @!p0 $0x88, s6;
	s7 =	simm.s32 @p2 $0x1082  }
0x22: {  	[simem:s7], [sflag:s8] =	dma.local @!p0 [hbm:s6], $0xF7A  }
0x23: {  	s9 =	sor.u32 $0xD0000000, s2;
	s6 =	simm.s32 $0x108;
	_ =	swait.ge @!p0 [sflag:s8], $0x0  }
0x24: {  	s3 =	sadd.s32 $0x88, s3;
	s6 =	simm.s32 @!p1 $0x1082;
	[sflag:s4] =	ssyncset.s32 $0xFFFFF086  }
0x25: {  	[simem:s6], [sflag:s4] =	dma.local [hbm:s3], $0xF7A  }
0x26: {  	[smem:$0x3F9F] =	sst s1;
	(tag) =	ssettag s2;
	_ =	strace s9  }
0x27: {  	s1 =	sld [smem:$0x3FAF]  }
0x28: {  	s2 =	sld [smem:$0x3FB0]  }
0x29: {  	s4 =	sld [smem:$0x3FB2]  }
0x2a: {  	p0 =	seq.s32 s5, $0x0;
	s5 =	sld [smem:$0x3FB3]  }
0x2b: {  	s6 =	sld [smem:$0x3FB4]  }
0x2c: {  	s7 =	sld [smem:$0x3FB5]  }
0x2d: {  	s3 =	simm.s32 $0x108;
	s8 =	sld [smem:$0x3FB6]  }
0x2e: {  	s3 =	simm.s32 @!p0 $0x1082;
	s9 =	sld [smem:$0x3FB7]  }
0x2f: {  	lr =	sadd.s32 s0, s3;
	s0 =	sld [smem:$0x3FAE]  }
0x30: {  	s3 =	sld [smem:$0x3FB1]  }
0x31: {  	[smem:$0x3FBA] =	sst s10  }
0x32: {  	s10 =	sld [smem:$0x3FB8];
	_ =	sdelay $0x3  }
0x33: {  	p0 =	seq.s32 s10, $0x1;
	s10 =	sld [smem:$0x3FBA];
	_ =	sdelay $0x3  }
0x34: {  	[smem:$0x3FBA] =	sst s10  }
0x35: {  	s10 =	sld [smem:$0x3FB9];
	_ =	sdelay $0x3  }
0x36: {  	p1 =	seq.s32 s10, $0x1;
	s10 =	sld [smem:$0x3FBA];
	_ =	sdelay $0x3  }
0x37: {  	[smem:$0x3FBA] =	sst s10  }
0x38: {  	s10 =	sld [smem:$0x3FBB]  }
0x39: {  	_ = 	snop;
	(pc) =	sbr.ind lr, $3  }
0x3a: {  	_ = 	snop  }
0x3b: {  	_ = 	snop  }
0x3c: {  	p2 =	seq.s32 s10, $0x1;
	s10 =	sld [smem:$0x3FBA]  }
0x3d: {  	_ =	shalt  }
0x3e: {  	_ =	shalt  }
0x3f: {  	_ =	shalt  }
0x40: {  	_ =	shalt  }
0x41: {  	_ =	shalt  }
0x42: {  	_ =	shalt  }
0x43: {  	_ =	shalt  }
0x44: {  	_ =	shalt  }
0x45: {  	_ =	shalt  }
0x46: {  	_ =	shalt  }
0x47: {  	_ =	shalt  }
0x48: {  	_ =	shalt  }
0x49: {  	_ =	shalt  }
0x4a: {  	_ =	shalt  }
0x4b: {  	_ =	shalt  }
0x4c: {  	_ =	shalt  }
0x4d: {  	_ =	shalt  }
0x4e: {  	_ =	shalt  }
0x4f: {  	_ =	shalt  }
0x50: {  	_ =	shalt  }
0x51: {  	_ =	shalt  }
0x52: {  	_ =	shalt  }
0x53: {  	_ =	shalt  }
0x54: {  	_ =	shalt  }
0x55: {  	_ =	shalt  }
0x56: {  	_ =	shalt  }
0x57: {  	_ =	shalt  }
0x58: {  	_ =	shalt  }
0x59: {  	_ =	shalt  }
0x5a: {  	_ =	shalt  }
0x5b: {  	_ =	shalt  }
0x5c: {  	_ =	shalt  }
0x5d: {  	_ =	shalt  }
0x5e: {  	_ =	shalt  }
0x5f: {  	_ =	shalt  }
0x60: {  	_ =	shalt  }
0x61: {  	_ =	shalt  }
0x62: {  	_ =	shalt  }
0x63: {  	_ =	shalt  }
0x64: {  	_ =	shalt  }
0x65: {  	_ =	shalt  }
0x66: {  	_ =	shalt  }
0x67: {  	_ =	shalt  }
0x68: {  	_ =	shalt  }
0x69: {  	_ =	shalt  }
0x6a: {  	_ =	shalt  }
0x6b: {  	_ =	shalt  }
0x6c: {  	_ =	shalt  }
0x6d: {  	_ =	shalt  }
0x6e: {  	_ =	shalt  }
0x6f: {  	_ =	shalt  }
0x70: {  	_ =	shalt  }
0x71: {  	_ =	shalt  }
0x72: {  	_ =	shalt  }
0x73: {  	_ =	shalt  }
0x74: {  	_ =	shalt  }
0x75: {  	_ =	shalt  }
0x76: {  	_ =	shalt  }
0x77: {  	_ =	shalt  }
0x78: {  	_ =	shalt  }
0x79: {  	_ =	shalt  }
0x7a: {  	_ =	shalt  }
0x7b: {  	_ =	shalt  }
0x7c: {  	_ =	shalt  }
0x7d: {  	_ =	shalt  }
0x7e: {  	_ =	shalt  }
0x7f: {  	_ =	shalt  }
0x80: {  	_ =	shalt  }
0x81: {  	_ =	shalt  }
0x82: {  	_ =	shalt  }
0x83: {  	_ =	shalt  }
0x84: {  	_ =	shalt  }
0x85: {  	_ =	shalt  }
0x86: {  	_ =	shalt  }
0x87: {  	_ =	shalt  }
.Lfunc_end0:
.L_simem_size_0:
called_computation_lowered:
.L_overlay_start_0:
0x88: {  	s2 =	sld [smem:$0x3FD9]  }
0x89: {  	s3 =	sld [smem:$0x3FFE];
	_ =	sdelay $0x1  }
0x8a: {  	s1 =	srdreg.scid  }
0x8b: {  	s0 =	sand.u32 $0x1, s1  }
0x8c: {  	s16 =	sshll.u32 s0, $0xA;
	s2 =	sadd.s32 s3, s2  }
0x8d: {  	s2 =	sadd.s32 s2, s16  }
0x8e: {  	[smem:$0x3FC6] =	sst s2  }
0x8f: {  	_ = 	snop  }
0x90: {  	(tm) =	ssettm $0x1  }
0x91: {  	s17 =	sld [smem:$0x3FFB];
	_ =	sdelay $0x3  }
0x92: {  	_ =	strace s17  }
0x93: {  	s2 =	sld [smem:$0x3FFC];
	_ =	sdelay $0x3  }
0x94: {  	_ =	strace s2  }
0x95: {  	s2 =	sld [smem:$0x3FFD];
	_ =	sdelay $0x3  }
0x96: {  	_ =	strace s2  }
0x97: {  	_ =	strace $0x8FFFFFFF  }
0x98: {  	s18 =	sld [smem:$0x3FDB];
	_ =	sdelay $0x1  }
0x99: {  	s19 =	simm.s32 $_scs_section_size  }
0x9a: {  	s4 =	simm.s32 $_size__tile_overlayer_lowered;
	s5 =	simm.s32 $_tile_overlayer_lowered  }
0x9b: {  	s22 =	simm.s32 $0x1BFF;
	s21 =	sshll.u32 s5, $0x1;
	s2 =	sadd.s32 s19, s18  }
0x9c: {  	s6 =	simm.s32 $0x0;
	s20 =	sshll.u32 s4, $0x1;
	s4 =	sadd.s32 s21, s2  }
0x9d: {  	[timem:s6], [sflag:s22] =	dma.local [hbm:s4], s20  }
0x9e: {  	_ =	swait.ge [sflag:s22], s20  }
0x9f: {  	s3 =	ssub.s32 $0x0, s20;
	[sflag:s22] =	ssyncset.done $0x0  }
0xa0: {  	[sflag:s22] =	ssyncadd.s32 s3;
	_ =	sdelay $0x1  }
0xa1: {  	s23 =	simm.s32 $0x1B8B  }
0xa2: {  	_ =	swait.ge [sflag:s23], $0x1  }
0xa3: {  	[sflag:s23] =	ssyncset.done $0x0  }
0xa4: {  	s25 =	simm.s32 $0x1B8E;
	s24 =	sld [smem:$0x3FFE];
	[sflag:s23] =	ssyncadd.s32 $0xFFFFFFFF  }
0xa5: {  	s26 =	simm.s32 $execute0_lowered;
	[smem:$0x3FD2] =	sst s25  }
0xa6: {  	s4 =	sshll.u32 s26, $0x1;
	_ =	strace $0x80000046;
	[dreg:$0x1] =	wrdreg $0xFFFFFFFF  }
0xa7: {  	s28 =	simm.s32 $_size_execute0_lowered;
	s2 =	sadd.s32 s2, s4;
	[dreg:$0x0] =	wrdreg $0x0  }
0xa8: {  	s4 =	sshll.u32 s28, $0x1;
	[dreg:$0x2] =	wrdreg s2  }
0xa9: {  	[dreg:$0x3] =	wrdreg s4  }
0xaa: {  	[dreg:$0x4] =	wrdreg $0xC0  }
0xab: {  	_ =	task [dreg:s6], $0x5FFFF  }
0xac: {  	[dreg:$0x1] =	wrdreg $0xFFFFFFFF  }
0xad: {  	[dreg:$0x0] =	wrdreg $0x60  }
0xae: {  	[dreg:$0x2] =	wrdreg s24  }
0xaf: {  	[dreg:$0x3] =	wrdreg $0x9  }
0xb0: {  	_ =	task.clear_ibuf [dreg:s6], $0x4FFFF;
	_ =	strace $0x90000046  }
0xb1: {  	s29 =	simm.s32 $0x9;
	_ =	strace $0x80000048  }
0xb2: {  	_ =	swait.ge [sflag:s29], $0x1  }
0xb3: {  	[sflag:s29] =	ssyncadd.s32 $0xFFFFFFFF  }
0xb4: {  	_ =	strace $0x90000048  }
0xb5: {  	_ =	sfence  }
0xb6: {  	s30 =	sld [smem:$0x0];
	_ =	sdelay $0x2  }
0xb7: {  	s31 =	sshll.u32 s1, $0xD;
	s1 =	sshrl.u32 s1, $0x2  }
0xb8: {  	s3 =	sand.u32 $0x4000, s31;
	s1 =	sadd.s32 s1, s30  }
0xb9: {  	s0 =	sor.u32 s3, s0;
	s1 =	sshll.u32 s1, $0x11  }
0xba: {  	s0 =	sor.u32 s1, s0  }
0xbb: {  	s0 =	sadd.s32 $0x8F2B, s0  }
0xbc: {  	[sflag:s0] =	ssyncadd.remote.s32 $0x1  }
0xbd: {  	_ =	sfence.sel $0xFFFF  }
0xbe: {  	[dreg:$0x0] =	wrdreg $0xFFFFFFFF;
	(pc) =	sbr.abs _section_cstart, $3  }
0xbf: {  	[dreg:$0x1] =	wrdreg $0xFFFFFFFF  }
0xc0: {  	_ =	task.clear_ibuf [dreg:s6], $0x2FFFF;
	_ =	strace $0x9FFFFFFF  }
0xc1: {  	(tm) =	ssettm $0x7FFFFFFF  }
tec
execute0_lowered:
.L_overlay_start_1:
0x0: {  	(tag) =	ssettag $0x1  }
0x1: {  	s3 =	rddreg [dreg:$0x0]  }
0x2: {  	s0 =	rddreg [dreg:$0x1];
	s4 =	srdreg.scid  }
0x3: {  	s2 =	simm.s32 $0x0;
	s1 =	stileid.u32;
	s4 =	sand.u32 $0x1, s4  }
0x4: {  	s7 =	simm.s32 $0x8000;
	s5 =	sshll.u32 s1, $0xD;
	s6 =	sshll.u32 s4, $0xC  }
0x5: {  	v0 =	vlaneseq.u32;
	s8 =	simm.s32 $0x0;
	s4 =	ssub.s32 $0x2, s4;
	s5 =	sor.u32 s6, s5  }
0x6: {  	[smem:$0x7FF] =	sst s2;
	v0 =	vmul.u32 $0xFFFFFFFF, v0;
	s31 =	sshrl.u32 s4, $0x1;
	s5 =	sadd.s32 s5, s3  }
0x7: {  	_ =	strace $0x80000047;
	s6 =	ssub.s32 s4, s31;
	s3 =	sadd.s32 $0xE00, s5  }
0x8: {  	vm0 =	vcmask $0x1B20;
	v1 =	vimm.f32 $0.0e+00;
	v0 =	vadd.s32 $0xF, v0;
	s4 =	sadd.s32 $0x20E00, s5;
	s5 =	smax.u32 s6, $0x1;
	s6 =	simm.s32 $0x1  }
.LBB2_1:
0x9: {  	[tilespmem:s2], [sflag:$0x1] =	stream.linear.gather [hbm4b:s3+s2], $0x8000, $0x38;
	[tilespmem:$0x10000] =	vst v63  }
0xa: {  	_ =	swait.ge [sflag:s6], $0x8000  }
0xb: {  	[sflag:s6] =	ssyncset.done $0x0  }
0xc: {  	s14 =	simm.s32 $0x0;
	[sflag:s6] =	ssyncadd.s32 $0xFFFF8000  }
0xd: {  	v22 =	vld [tilespmem:s14+$0x30]  }
0xe: {  	v23 =	vld [tilespmem:s14+$0x10]  }
0xf: {  	v24 =	vld [tilespmem:s14+$0x20];
	_ =	sdelay $0x1  }
0x10: {  	v25 =	vld [tilespmem:s14+$0x0]  }
0x11: {  	(xrf1) =	vsort.dscd.msk.f32 $0xffff, v22, v22  }
0x12: {  	(xrf1) =	vsort.dscd.msk.f32 $0xffff, v23, v23  }
0x13: {  	(xrf1) =	vsort.dscd.msk.f32 $0xffff, v24, v24;
	_ =	sdelay $0x1  }
0x14: {  	(xrf1) =	vsort.dscd.msk.f32 $0xffff, v25, v25  }
0x15: {  	s10 =	simm.s32 $0x80  }
0x16: {  	v4 =	vld [tilespmem:s10+$0x30]  }
0x17: {  	v17 =	vld [tilespmem:s10+$0x10]  }
0x18: {  	v3 =	vld [tilespmem:s10+$0x20]  }
0x19: {  	v8 =	vld [tilespmem:s10+$0x0];
	_ =	sdelay $0x1  }
0x1a: {  	(xrf1) =	vsort.dscd.msk.f32 $0xffff, v4, v4  }
0x1b: {  	(xrf1) =	vsort.dscd.msk.f32 $0xffff, v17, v17  }
0x1c: {  	(xrf1) =	vsort.dscd.msk.f32 $0xffff, v3, v3  }
0x1d: {  	(xrf1) =	vsort.dscd.msk.f32 $0xffff, v8, v8;
	v2, _, _ =	vpop (xrf1)  }
0x1e: {  	v2 =	vperm.xlane v2, v0;
	v5, _, _ =	vpop (xrf1)  }
0x1f: {  	v6, _, _ =	vpop (xrf1)  }
0x20: {  	v5 =	vperm.xlane v5, v0;
	v2 =	vmax.f32 v6, v2  }
0x21: {  	s11 =	simm.s32 $0x100;
	v6, _, _ =	vpop (xrf1);
	(xrf1) =	vsort.dscd.msk.f32 $0xffff, v2, v2  }
0x22: {  	v7 =	vld [tilespmem:s11+$0x30];
	v2 =	vmax.f32 v6, v5  }
0x23: {  	v11 =	vld [tilespmem:s11+$0x10];
	(xrf1) =	vsort.dscd.msk.f32 $0xffff, v2, v2  }
0x24: {  	v2 =	vld [tilespmem:s11+$0x20]  }
0x25: {  	v10 =	vld [tilespmem:s11+$0x0];
	_ =	sdelay $0x1  }
0x26: {  	(xrf1) =	vsort.dscd.msk.f32 $0xffff, v7, v7  }
0x27: {  	v5, _, _ =	vpop (xrf1);
	(xrf1) =	vsort.dscd.msk.f32 $0xffff, v11, v11  }
0x28: {  	v5 =	vperm.xlane v5, v0;
	v6, _, _ =	vpop (xrf1);
	(xrf1) =	vsort.dscd.msk.f32 $0xffff, v2, v2  }
0x29: {  	v9, _, _ =	vpop (xrf1);
	v12 =	vperm.xlane v6, v0;
	(xrf1) =	vsort.dscd.msk.f32 $0xffff, v10, v10  }
0x2a: {  	v5 =	vmax.f32 v9, v5;
	v9, _, _ =	vpop (xrf1)  }
0x2b: {  	s9 =	simm.s32 $0x180;
	(xrf1) =	vsort.dscd.msk.f32 $0xffff, v5, v5;
	v5 =	vmax.f32 v9, v12  }
0x2c: {  	v6 =	vld [tilespmem:s9+$0x30]  }
0x2d: {  	(xrf1) =	vsort.dscd.msk.f32 $0xffff, v5, v5  }
0x2e: {  	v5, _, _ =	vpop (xrf1)  }
0x2f: {  	v9 =	vld [tilespmem:s9+$0x10];
	v12 =	vperm.xlane v5, v0  }
0x30: {  	v13, _, _ =	vpop (xrf1);
	v5 =	vld [tilespmem:s9+$0x20]  }
0x31: {  	v14 =	vld [tilespmem:s9+$0x0];
	(xrf1) =	vsort.dscd.msk.f32 $0xffff, v6, v6;
	v12 =	vmax.f32 v13, v12  }
0x32: {  	(xrf1) =	vsort.dscd.msk.f32 $0xffff, v12, v12;
	_ =	sdelay $0x1  }
0x33: {  	(xrf1) =	vsort.dscd.msk.f32 $0xffff, v9, v9;
	v12, _, _ =	vpop (xrf1)  }
0x34: {  	(xrf1) =	vsort.dscd.msk.f32 $0xffff, v5, v5;
	v12 =	vperm.xlane v12, v0;
	v13, _, _ =	vpop (xrf1)  }
0x35: {  	(xrf1) =	vsort.dscd.msk.f32 $0xffff, v14, v14;
	v15 =	vperm.xlane v13, v0;
	v13, _, _ =	vpop (xrf1)  }
0x36: {  	v12 =	vmax.f32 v13, v12;
	v16, _, _ =	vpop (xrf1)  }
0x37: {  	s12 =	simm.s32 $0x200;
	v15 =	vmax.f32 v16, v15;
	(xrf1) =	vsort.dscd.msk.f32 $0xffff, v12, v12  }
0x38: {  	v13 =	vld [tilespmem:s12+$0x30];
	v16, _, _ =	vpop (xrf1);
	(xrf1) =	vsort.dscd.msk.f32 $0xffff, v15, v15  }
0x39: {  	v18 =	vperm.xlane v16, v0  }
0x3a: {  	v12 =	vld [tilespmem:s12+$0x10];
	v19, _, _ =	vpop (xrf1)  }
0x3b: {  	v15 =	vld [tilespmem:s12+$0x20];
	v18 =	vmax.f32 v19, v18;
	_ =	sdelay $0x1  }
0x3c: {  	(xrf1) =	vsort.dscd.msk.f32 $0xffff, v13, v13  }
0x3d: {  	(xrf1) =	vsort.dscd.msk.f32 $0xffff, v18, v18;
	v18, _, _ =	vpop (xrf1)  }
0x3e: {  	v16 =	vld [tilespmem:s12+$0x0];
	(xrf1) =	vsort.dscd.msk.f32 $0xffff, v12, v12;
	v19, _, _ =	vpop (xrf1)  }
0x3f: {  	(xrf1) =	vsort.dscd.msk.f32 $0xffff, v15, v15;
	v19 =	vsel vm0, $0xFF800000, v19  }
0x40: {  	v20, _, _ =	vpop (xrf1);
	(xrf0) =	vmax.scan.msk.f32 $0xffff, v19  }
0x41: {  	v21, _, _ =	vpop (xrf1);
	v26 =	vperm.xlane v20, v0  }
0x42: {  	v18 =	vperm.xlane v18, v0;
	v27, _, _ =	vpop (xrf1)  }
0x43: {  	s13 =	simm.s32 $0x280;
	(xrf1) =	vsort.dscd.msk.f32 $0xffff, v16, v16;
	v26 =	vmax.f32 v27, v26  }
0x44: {  	v19 =	vld [tilespmem:s13+$0x30];
	v18 =	vmax.f32 v21, v18;
	v21, _, _ =	vpop (xrf1)  }
0x45: {  	(xrf1) =	vsort.dscd.msk.f32 $0xffff, v18, v18;
	v27 =	vperm.xlane v21, v0;
	v28, _, _ =	vpop (xrf1)  }
0x46: {  	(xrf1) =	vsort.dscd.msk.f32 $0xffff, v26, v26;
	v26, _, _ =	vpop (xrf0)  }
0x47: {  	v20 =	vld [tilespmem:s13+$0x10];
	v27 =	vmax.f32 v28, v27;
	v26 =	vbroadcast v26, $0xF  }
0x48: {  	v18 =	vld [tilespmem:s13+$0x20]  }
0x49: {  	v21 =	vld [tilespmem:s13+$0x0];
	(xrf1) =	vsort.dscd.msk.f32 $0xffff, v19, v19;
	vm1 =	vge.f32 v22, v26  }
0x4a: {  	(xrf1) =	vsort.dscd.msk.f32 $0xffff, v27, v27;
	vm2 =	vge.f32 v25, v26;
	v27, _, _ =	vpop (xrf1);
	v25 =	vsel vm1, $0x3F800000, v1  }
0x4b: {  	vm1 =	vge.f32 v23, v26;
	v23 =	vperm.xlane v27, v0;
	v27 =	vsel vm2, $0x3F800000, v1  }
0x4c: {  	(xrf1) =	vsort.dscd.msk.f32 $0xffff, v20, v20;
	v22, _, _ =	vpop (xrf1)  }
0x4d: {  	(xrf1) =	vsort.dscd.msk.f32 $0xffff, v18, v18;
	[tilespmem:s14+$0x8030] =	vst v25;
	v25, _, _ =	vpop (xrf1)  }
0x4e: {  	(xrf1) =	vsort.dscd.msk.f32 $0xffff, v21, v21;
	v22 =	vsel vm0, $0xFF800000, v22;
	[tilespmem:s14+$0x8000] =	vst v27;
	v27, _, _ =	vpop (xrf1)  }
0x4f: {  	vm2 =	vge.f32 v24, v26;
	(xrf0) =	vmax.scan.msk.f32 $0xffff, v22;
	v26 =	vmax.f32 v27, v23  }
0x50: {  	v25 =	vperm.xlane v25, v0;
	(xrf1) =	vsort.dscd.msk.f32 $0xffff, v26, v26  }
0x51: {  	s15 =	simm.s32 $0x300;
	v24 =	vsel vm1, $0x3F800000, v1;
	v27, _, _ =	vpop (xrf1)  }
0x52: {  	s16 =	simm.s32 $0xE00;
	v22 =	vld [tilespmem:s15+$0x30];
	[tilespmem:s14+$0x8010] =	vst v24;
	v23 =	vsel vm2, $0x3F800000, v1;
	v25 =	vmax.f32 v27, v25  }
.LBB2_2:
0x53: {  	p0 =	sne.s32 s16, $0x1FE00;
	(xrf1) =	vsort.dscd.msk.f32 $0xffff, v25, v25;
	[tilespmem:s14+$0x8020] =	vst v23;
	v24 =	vmovc v12;
	v12 =	vmov v20;
	v23 =	vmov v3;
	s14 =	smov.u32 s10;
	s10 =	smov.u32 s11  }
0x54: {  	v3 =	vmov v2;
	v2 =	vmov v5;
	v5 =	vmov v15;
	s11 =	smov.u32 s9;
	s9 =	smov.u32 s12;
	s12 =	smov.u32 s13;
	v20 =	vld [tilespmem:s15+$0x10];
	v25, _, _ =	vpop (xrf1)  }
0x55: {  	v15 =	vmov v18;
	v27 =	vmov v10;
	s13 =	smov.u32 s15;
	v25 =	vperm.xlane v25, v0;
	v26, _, _ =	vpop (xrf1);
	v18 =	vld [tilespmem:s15+$0x20]  }
0x56: {  	v10 =	vmov v14;
	v14 =	vmov v16;
	v16 =	vmov v21;
	v28, _, _ =	vpop (xrf0);
	v21 =	vld [tilespmem:s13+$0x0]  }
0x57: {  	(xrf1) =	vsort.dscd.msk.f32 $0xffff, v22, v22;
	v25 =	vmax.f32 v26, v25;
	v26 =	vbroadcast v28, $0xF;
	v28 =	vmovc v4;
	v4 =	vmov v7  }
0x58: {  	v7 =	vmovc v6;
	v6 =	vmov v13;
	v13 =	vmov v19;
	v19 =	vmov v22;
	(xrf1) =	vsort.dscd.msk.f32 $0xffff, v25, v25  }
0x59: {  	(xrf1) =	vsort.dscd.msk.f32 $0xffff, v20, v20;
	v22, _, _ =	vpop (xrf1);
	vm1 =	vge.f32 v8, v26;
	vm2 =	vge.f32 v28, v26;
	v8 =	vmov v27  }
.Ltmp0:
0x5a: {  	vm3 =	vge.f32 v17, v26;
	vm4 =	vge.f32 v23, v26;
	(xrf1) =	vsort.dscd.msk.f32 $0xffff, v18, v18;
	v25, _, _ =	vpop (xrf1);
	v27 =	vsel vm2, $0x3F800000, v1;
	(pc) =	sbr.rel @p0 .LBB2_2-.Ltmp0, $4  }
0x5b: {  	v22 =	vperm.xlane v22, v0;
	(xrf1) =	vsort.dscd.msk.f32 $0xffff, v21, v21;
	v23, _, _ =	vpop (xrf1);
	v29 =	vsel vm0, $0xFF800000, v25;
	[tilespmem:s14+$0x8030] =	vst v27  }
0x5c: {  	v27 =	vsel vm3, $0x3F800000, v1;
	v26 =	vperm.xlane v23, v0;
	v17, _, _ =	vpop (xrf1);
	(xrf0) =	vmax.scan.msk.f32 $0xffff, v29;
	v23 =	vsel vm1, $0x3F800000, v1  }
0x5d: {  	s15 =	sshra.s32 s16, $0x2;
	v28 =	vmax.f32 v17, v22;
	v25, _, _ =	vpop (xrf1);
	[tilespmem:s14+$0x8000] =	vst v23;
	v23 =	vsel vm4, $0x3F800000, v1;
	v17 =	vmov v11  }
0x5e: {  	s16 =	sadd.s32 $0x200, s16;
	v11 =	vmovc v9;
	v9 =	vmov v24;
	v22 =	vld [tilespmem:s15+$0x30];
	v25 =	vmax.f32 v25, v26;
	(xrf1) =	vsort.dscd.msk.f32 $0xffff, v28, v28;
	[tilespmem:s14+$0x8010] =	vst v27  }
0x5f: {  	[tilespmem:s14+$0x8020] =	vst v23  }
0x60: {  	v26, _, _ =	vpop (xrf1);
	v24 =	vld [tilespmem:s15+$0x10]  }
0x61: {  	v23 =	vld [tilespmem:s15+$0x20];
	v26 =	vperm.xlane v26, v0  }
0x62: {  	(xrf1) =	vsort.dscd.msk.f32 $0xffff, v25, v25;
	v27, _, _ =	vpop (xrf1)  }
0x63: {  	v25 =	vld [tilespmem:s15+$0x0];
	v26 =	vmax.f32 v27, v26;
	(xrf1) =	vsort.dscd.msk.f32 $0xffff, v22, v22  }
0x64: {  	(xrf1) =	vsort.dscd.msk.f32 $0xffff, v26, v26  }
0x65: {  	(xrf1) =	vsort.dscd.msk.f32 $0xffff, v24, v24  }
0x66: {  	(xrf1) =	vsort.dscd.msk.f32 $0xffff, v23, v23;
	_ =	sdelay $0x1  }
0x67: {  	(xrf1) =	vsort.dscd.msk.f32 $0xffff, v25, v25;
	_ =	sdelay $0x1  }
0x68: {  	v62, _, _ =	vpop (xrf1)  }
0x69: {  	v63, _, _ =	vpop (xrf1)  }
0x6a: {  	v28, _, _ =	vpop (xrf1)  }
0x6b: {  	v29, _, _ =	vpop (xrf1)  }
0x6c: {  	v30, _, _ =	vpop (xrf1)  }
0x6d: {  	v26 =	vperm.xlane v62, v0;
	v31, _, _ =	vpop (xrf1)  }
0x6e: {  	v32, _, _ =	vpop (xrf1)  }
0x6f: {  	v28 =	vperm.xlane v28, v0;
	v26 =	vmax.f32 v29, v26;
	v34, _, _ =	vpop (xrf1)  }
0x70: {  	(xrf1) =	vsort.dscd.msk.f32 $0xffff, v26, v26;
	v35 =	vperm.xlane v31, v0;
	v36, _, _ =	vpop (xrf1)  }
0x71: {  	v28 =	vmax.f32 v30, v28;
	v29 =	vperm.xlane v34, v0;
	v37, _, _ =	vpop (xrf1)  }
0x72: {  	v26 =	vmax.f32 v32, v35;
	(xrf1) =	vsort.dscd.msk.f32 $0xffff, v28, v28;
	v38, _, _ =	vpop (xrf1)  }
0x73: {  	(xrf1) =	vsort.dscd.msk.f32 $0xffff, v26, v26;
	v39 =	vperm.xlane v37, v0;
	v28 =	vmax.f32 v38, v29  }
0x74: {  	v40, _, _ =	vpop (xrf1);
	(xrf1) =	vsort.dscd.msk.f32 $0xffff, v28, v28  }
0x75: {  	v26 =	vmax.f32 v40, v39  }
0x76: {  	(xrf1) =	vsort.dscd.msk.f32 $0xffff, v26, v26;
	_ =	sdelay $0x7  }
0x77: {  	v41, _, _ =	vpop (xrf1)  }
0x78: {  	v26 =	vperm.xlane v41, v0  }
0x79: {  	v42, _, _ =	vpop (xrf1)  }
0x7a: {  	v26 =	vmax.f32 v42, v26;
	v43, _, _ =	vpop (xrf1)  }
0x7b: {  	(xrf1) =	vsort.dscd.msk.f32 $0xffff, v26, v26;
	v44, _, _ =	vpop (xrf1)  }
0x7c: {  	v26 =	vperm.xlane v44, v0  }
0x7d: {  	v27 =	vsel vm0, $0xFF800000, v63;
	v45, _, _ =	vpop (xrf1)  }
0x7e: {  	(xrf0) =	vmax.scan.msk.f32 $0xffff, v27;
	v26 =	vmax.f32 v45, v26  }
0x7f: {  	(xrf1) =	vsort.dscd.msk.f32 $0xffff, v26, v26  }
0x80: {  	v46, _, _ =	vpop (xrf0)  }
0x81: {  	v47 =	vsel vm0, $0xFF800000, v36;
	v26 =	vbroadcast v46, $0xF  }
0x82: {  	(xrf0) =	vmax.scan.msk.f32 $0xffff, v47  }
0x83: {  	v49 =	vsel vm0, $0xFF800000, v43;
	vm2 =	vge.f32 v4, v26  }
0x84: {  	vm1 =	vge.f32 v8, v26;
	vm3 =	vge.f32 v17, v26;
	v4 =	vsel vm2, $0x3F800000, v1  }
0x85: {  	v48, _, _ =	vpop (xrf0);
	v50 =	vsel vm1, $0x3F800000, v1;
	vm1 =	vge.f32 v3, v26;
	v3 =	vsel vm3, $0x3F800000, v1  }
0x86: {  	(xrf0) =	vmax.scan.msk.f32 $0xffff, v49;
	v8 =	vbroadcast v48, $0xF;
	[tilespmem:s10+$0x8030] =	vst v4  }
0x87: {  	[tilespmem:s10+$0x8000] =	vst v50;
	v51 =	vsel vm1, $0x3F800000, v1  }
0x88: {  	[tilespmem:s10+$0x8010] =	vst v3;
	vm1 =	vge.f32 v7, v8;
	vm2 =	vge.f32 v10, v8;
	vm3 =	vge.f32 v11, v8;
	v3, _, _ =	vpop (xrf0)  }
0x89: {  	[tilespmem:s10+$0x8020] =	vst v51;
	v52 =	vsel vm1, $0x3F800000, v1;
	vm1 =	vge.f32 v2, v8;
	v2 =	vsel vm3, $0x3F800000, v1;
	v53, _, _ =	vpop (xrf1)  }
0x8a: {  	v54 =	vsel vm2, $0x3F800000, v1;
	[tilespmem:s11+$0x8030] =	vst v52;
	v3 =	vbroadcast v3, $0xF;
	v7 =	vsel vm0, $0xFF800000, v53  }
0x8b: {  	[tilespmem:s11+$0x8000] =	vst v54;
	v55 =	vsel vm1, $0x3F800000, v1;
	(xrf0) =	vmax.scan.msk.f32 $0xffff, v7  }
0x8c: {  	[tilespmem:s11+$0x8010] =	vst v2;
	v2, _, _ =	vpop (xrf0);
	vm1 =	vge.f32 v6, v3;
	vm2 =	vge.f32 v14, v3;
	vm3 =	vge.f32 v9, v3  }
0x8d: {  	[tilespmem:s11+$0x8020] =	vst v55;
	v2 =	vbroadcast v2, $0xF;
	v56 =	vsel vm1, $0x3F800000, v1;
	v58 =	vsel vm2, $0x3F800000, v1;
	v57, _, _ =	vpop (xrf1)  }
0x8e: {  	vm1 =	vge.f32 v5, v3;
	v3 =	vsel vm3, $0x3F800000, v1;
	[tilespmem:s9+$0x8030] =	vst v56;
	v6 =	vsel vm0, $0xFF800000, v57  }
0x8f: {  	[tilespmem:s9+$0x8000] =	vst v58;
	(xrf0) =	vmax.scan.msk.f32 $0xffff, v6  }
0x90: {  	v59 =	vsel vm1, $0x3F800000, v1;
	[tilespmem:s9+$0x8010] =	vst v3;
	vm1 =	vge.f32 v13, v2  }
0x91: {  	vm2 =	vge.f32 v16, v2;
	[tilespmem:s9+$0x8020] =	vst v59;
	v60 =	vsel vm1, $0x3F800000, v1;
	v3, _, _ =	vpop (xrf0)  }
0x92: {  	vm1 =	vge.f32 v12, v2;
	v61 =	vsel vm2, $0x3F800000, v1;
	[tilespmem:s12+$0x8030] =	vst v60;
	v3 =	vbroadcast v3, $0xF  }
0x93: {  	vm2 =	vge.f32 v15, v2;
	v2 =	vsel vm1, $0x3F800000, v1;
	[tilespmem:s12+$0x8000] =	vst v61  }
0x94: {  	v62 =	vsel vm2, $0x3F800000, v1;
	[tilespmem:s12+$0x8010] =	vst v2;
	vm1 =	vge.f32 v19, v3  }
0x95: {  	[tilespmem:s12+$0x8020] =	vst v62;
	vm2 =	vge.f32 v21, v3;
	v2 =	vsel vm1, $0x3F800000, v1;
	v63, _, _ =	vpop (xrf0)  }
0x96: {  	vm1 =	vge.f32 v20, v3;
	[tilespmem:s13+$0x8030] =	vst v2;
	v2 =	vsel vm2, $0x3F800000, v1;
	v4 =	vbroadcast v63, $0xF  }
0x97: {  	vm2 =	vge.f32 v18, v3;
	v3 =	vsel vm1, $0x3F800000, v1;
	[tilespmem:s13+$0x8000] =	vst v2  }
0x98: {  	v2 =	vsel vm2, $0x3F800000, v1;
	[tilespmem:s13+$0x8010] =	vst v3;
	vm1 =	vge.f32 v22, v4  }
0x99: {  	[tilespmem:s13+$0x8020] =	vst v2;
	vm2 =	vge.f32 v25, v4;
	v2 =	vsel vm1, $0x3F800000, v1  }
0x9a: {  	vm1 =	vge.f32 v24, v4;
	[tilespmem:s15+$0x8030] =	vst v2;
	v2 =	vsel vm2, $0x3F800000, v1  }
0x9b: {  	s8 =	sadd.s32 $0x1, s8;
	vm2 =	vge.f32 v23, v4;
	v3 =	vsel vm1, $0x3F800000, v1;
	[tilespmem:s15+$0x8000] =	vst v2  }
0x9c: {  	p0 =	sne.s32 s8, s5;
	v2 =	vsel vm2, $0x3F800000, v1;
	[tilespmem:s15+$0x8010] =	vst v3  }
.Ltmp1:
0x9d: {  	[tilespmem:s15+$0x8020] =	vst v2;
	(pc) =	sbr.rel @p0 .LBB2_1-.Ltmp1, $4  }
0x9e: {  	[hbm4b:s4+s2] =	stream.linear.scatter [tilespmem:s7], [sflag:$0x1], $0x8000, $0x38;
	[tilespmem:$0x10000] =	vst v63  }
0x9f: {  	_ =	swait.ge [sflag:s6], $0x8000  }
0xa0: {  	[sflag:s6] =	ssyncset.done $0x0  }
0xa1: {  	[sflag:s6] =	ssyncadd.s32 $0xFFFF8000  }
0xa2: {  	_ =	sfence.sel $0x180000  }
0xa3: {  	[bflag:$0x0] =	sbarrier.arrive $0xFFFF  }
0xa4: {  	p0 =	sne.s32 s1, $0x0;
	_ =	strace $0x90000047  }
0xa5: {  	s0 =	sadd.s32 @!p0 $0x100000, s0;
	[bflag:$0x2] =	sbarrier.arrive $0xFFFF  }
0xa6: {  	[sflag:s0] =	ssyncadd.tile.s32 @!p0 $0x1;
	_ =	shalt  }
.Lfunc_end2:
_tile_overlayer_lowered:
.L_overlay_start_2:
0xa7: {  	(tag) =	ssettag $0x2  }
0xa8: {  	s0 =	rddreg [dreg:$0x0];
	s2 =	stileid.u32  }
0xa9: {  	s1 =	rddreg [dreg:$0x1];
	p0 =	sne.s32 s2, $0x0  }
0xaa: {  	s3 =	rddreg [dreg:$0x2];
	[bflag:$0x3] =	sbarrier.arrive $0xFFFF;
	s2 =	simm.s32 @!p0 $0x1C01  }
0xab: {  	[timem:s3], [sflag:s2] =	dma.local @!p0 [hbm:s0], s1  }
0xac: {  	s0 =	simm.s32 @!p0 $0x1  }
0xad: {  	_ =	swait.ge @!p0 [sflag:s0], s1  }
0xae: {  	s1 =	ssub.s32 @!p0 $0x0, s1;
	[sflag:s0] =	ssyncset.done @!p0 $0x0  }
0xaf: {  	[sflag:s0] =	ssyncadd.s32 @!p0 s1  }
0xb0: {  	[bflag:$0x3] =	sbarrier.arrive $0xFFFF  }
0xb1: {  	_ =	shalt  }

</sc_bundles>
